<compile_context>
chip_gen: v7x
topology: tpu7x:2x2x1
jax: 0.10.2.dev20260603
libtpu: 0.0.44.dev20260713+nightly
codegen_flags: <defaults>
</compile_context>

<pallas_src>
import functools
import math

import numpy as np
import jax
import jax.numpy as jnp
from jax import lax
from jax.experimental import pallas as pl
from jax.experimental.pallas import tpu as pltpu
from jax.experimental.pallas import tpu_sc as plsc

_L = 2
_N_NODES = 10000
_N_EDGES = 160000
_MAX_NUMBER = 8
_R_CUTOFF = 6.0
_N_RS = 64
_ALPHA = 16.0

def _gen_l_list():
    rows = []
    for single_l in range(_L + 1):
        for ii in range(single_l + 1):
            for jj in range(single_l + 1):
                for kk in range(single_l + 1):
                    if ii + jj + kk == single_l:
                        rows.append([ii, jj, kk])
    return np.array(rows, dtype=np.int32)

_L_LIST = _gen_l_list()
_N_L = _L_LIST.shape[0]
_L_SUM = _L_LIST.sum(-1)
_fact = np.vectorize(math.factorial)
_L_PREIDX = (_fact(_L_SUM.astype(np.int64)) /
             _fact(_L_LIST.astype(np.int64)).prod(-1)).astype(np.float32)
_R_S = np.linspace(0.0, 6.0, _N_RS).astype(np.float32)

_PREIDX_ROW = np.tile(_L_PREIDX, _N_RS)[None, :]
_W_PROJ = np.zeros((_N_RS * _N_L, _N_RS * (_L + 1)), dtype=np.float32)
for _k in range(_N_RS):
    for _l in range(_N_L):
        _W_PROJ[_k * _N_L + _l, _k * (_L + 1) + _L_SUM[_l]] = 1.0

_E_PAD = 163840
_EB = 8192
_N_EB = _E_PAD // _EB
_NC = 2000
_N_NB = _N_NODES // _NC
_NW = 32
_EPW = _E_PAD // _NW


def _sc_edge_kernel(xx_hbm, xy_hbm, xz_hbm, an_hbm, cf_hbm, src_hbm, dst_hbm,
                    o_rx, o_ry, o_rz, o_r2, o_cf,
                    xx_v, xy_v, xz_v, an_v, cf_v, src_v, dst_v,
                    rx_v, ry_v, rz_v, r2_v, cfo_v):
    wid = lax.axis_index("s") * 2 + lax.axis_index("c")
    base = wid * _EPW
    pltpu.sync_copy(xx_hbm, xx_v)
    pltpu.sync_copy(xy_hbm, xy_v)
    pltpu.sync_copy(xz_hbm, xz_v)
    pltpu.sync_copy(an_hbm, an_v)
    pltpu.sync_copy(cf_hbm, cf_v)
    pltpu.sync_copy(src_hbm.at[pl.ds(base, _EPW)], src_v)
    pltpu.sync_copy(dst_hbm.at[pl.ds(base, _EPW)], dst_v)

    def body(i, _):
        off = i * 16
        s_idx = src_v[pl.ds(off, 16)]
        d_idx = dst_v[pl.ds(off, 16)]
        xs = plsc.load_gather(xx_v, [s_idx])
        ys = plsc.load_gather(xy_v, [s_idx])
        zs = plsc.load_gather(xz_v, [s_idx])
        xd = plsc.load_gather(xx_v, [d_idx])
        yd = plsc.load_gather(xy_v, [d_idx])
        zd = plsc.load_gather(xz_v, [d_idx])
        rx = (xd - xs) + 1e-6
        ry = (yd - ys) + 1e-6
        rz = (zd - zs) + 1e-6
        r2 = rx * rx + ry * ry + rz * rz
        zsrc = plsc.load_gather(an_v, [s_idx])
        zdst = plsc.load_gather(an_v, [d_idx])
        zmin = jnp.minimum(zsrc, zdst)
        zmax = jnp.maximum(zsrc, zdst)
        cf = plsc.load_gather(cf_v, [zmin * _MAX_NUMBER + zmax])
        rx_v[pl.ds(off, 16)] = rx
        ry_v[pl.ds(off, 16)] = ry
        rz_v[pl.ds(off, 16)] = rz
        r2_v[pl.ds(off, 16)] = r2
        cfo_v[pl.ds(off, 16)] = cf
        return 0

    lax.fori_loop(0, _EPW // 16, body, 0)

    pltpu.sync_copy(rx_v, o_rx.at[pl.ds(base, _EPW)])
    pltpu.sync_copy(ry_v, o_ry.at[pl.ds(base, _EPW)])
    pltpu.sync_copy(rz_v, o_rz.at[pl.ds(base, _EPW)])
    pltpu.sync_copy(r2_v, o_r2.at[pl.ds(base, _EPW)])
    pltpu.sync_copy(cfo_v, o_cf.at[pl.ds(base, _EPW)])


def _make_sc_edge():
    return functools.partial(
        pl.kernel,
        out_type=[jax.ShapeDtypeStruct((_E_PAD,), jnp.float32)] * 5,
        mesh=plsc.VectorSubcoreMesh(core_axis_name="c", subcore_axis_name="s"),
        compiler_params=pltpu.CompilerParams(needs_layout_passes=False),
        scratch_types=[
        pltpu.VMEM((_N_NODES,), jnp.float32),
        pltpu.VMEM((_N_NODES,), jnp.float32),
        pltpu.VMEM((_N_NODES,), jnp.float32),
        pltpu.VMEM((_N_NODES,), jnp.int32),
        pltpu.VMEM((_MAX_NUMBER * _MAX_NUMBER,), jnp.float32),
        pltpu.VMEM((_EPW,), jnp.int32),
        pltpu.VMEM((_EPW,), jnp.int32),
        pltpu.VMEM((_EPW,), jnp.float32),
        pltpu.VMEM((_EPW,), jnp.float32),
        pltpu.VMEM((_EPW,), jnp.float32),
            pltpu.VMEM((_EPW,), jnp.float32),
            pltpu.VMEM((_EPW,), jnp.float32),
        ],
    )(_sc_edge_kernel)


def _tc_dense_kernel(rx_ref, ry_ref, rz_ref, r2_ref, cf_ref, dst_ref,
                     rs_ref, preidx_ref, w_ref, out_ref, acc_ref):
    n = pl.program_id(0)
    e = pl.program_id(1)

    @pl.when(e == 0)
    def _():
        acc_ref[...] = jnp.zeros_like(acc_ref)

    rx = rx_ref[0]
    ry = ry_ref[0]
    rz = rz_ref[0]
    r2 = r2_ref[0]
    cf = cf_ref[0]
    dst = dst_ref[0]

    rnorm = jnp.sqrt(r2)
    fc = 0.5 + 0.5 * jnp.cos(jnp.pi * rnorm / _R_CUTOFF)
    eid = e * _EB + lax.broadcasted_iota(jnp.int32, (1, _EB), 1)
    valid = (eid < _N_EDGES).astype(jnp.float32)
    s = fc * fc * cf * valid

    diff = rnorm - rs_ref[...]
    radial = jnp.exp(-_ALPHA * diff * diff)
    one = jnp.ones_like(rx)
    mono = jnp.concatenate(
        [one, rz, ry, rx, rz * rz, ry * rz, ry * ry, rx * rz, rx * ry,
         rx * rx], axis=0) * s
    dens = (radial[:, None, :] * mono[None, :, :]).reshape(_N_RS * _N_L, _EB)
    dens_b = dens.astype(jnp.bfloat16)

    node = n * _NC + lax.broadcasted_iota(jnp.int32, (_NC, _EB), 0)
    onehot = (node == dst).astype(jnp.bfloat16)

    acc_ref[...] += lax.dot_general(
        onehot, dens_b, (((1,), (1,)), ((), ())),
        preferred_element_type=jnp.float32)

    @pl.when(e == pl.num_programs(1) - 1)
    def _():
        a = acc_ref[...]
        sq = preidx_ref[...] * a * a
        out_ref[...] = lax.dot_general(
            sq, w_ref[...], (((1,), (0,)), ((), ())),
            preferred_element_type=jnp.float32)


def kernel(x, edge_index, atomic_numbers, coeffs):
    x = x.astype(jnp.float32)
    src = edge_index[0].astype(jnp.int32)
    dst = edge_index[1].astype(jnp.int32)
    an = atomic_numbers.astype(jnp.int32)
    cf_flat = coeffs.astype(jnp.float32).reshape(-1)

    pad = _E_PAD - _N_EDGES
    srcp = jnp.concatenate([src, jnp.zeros((pad,), jnp.int32)])
    dstp = jnp.concatenate([dst, jnp.zeros((pad,), jnp.int32)])

    rx, ry, rz, r2, cfe = _make_sc_edge()(
        x[:, 0], x[:, 1], x[:, 2], an, cf_flat, srcp, dstp)

    def blk(a):
        return a.reshape(_N_EB, 1, _EB)

    rs_col = jnp.asarray(_R_S).reshape(_N_RS, 1)
    preidx = jnp.asarray(_PREIDX_ROW)
    w_proj = jnp.asarray(_W_PROJ)

    edge_spec = pl.BlockSpec((1, 1, _EB), lambda n, e: (e, 0, 0))
    out = pl.pallas_call(
        _tc_dense_kernel,
        grid=(_N_NB, _N_EB),
        in_specs=[edge_spec] * 6 + [
            pl.BlockSpec((_N_RS, 1), lambda n, e: (0, 0)),
            pl.BlockSpec((1, _N_RS * _N_L), lambda n, e: (0, 0)),
            pl.BlockSpec((_N_RS * _N_L, _N_RS * (_L + 1)),
                         lambda n, e: (0, 0)),
        ],
        out_specs=pl.BlockSpec((_NC, _N_RS * (_L + 1)), lambda n, e: (n, 0)),
        out_shape=jax.ShapeDtypeStruct((_N_NODES, _N_RS * (_L + 1)),
                                       jnp.float32),
        scratch_shapes=[pltpu.VMEM((_NC, _N_RS * _N_L), jnp.float32)],
        compiler_params=pltpu.CompilerParams(
            vmem_limit_bytes=120 * 1024 * 1024),
    )(blk(rx), blk(ry), blk(rz), blk(r2), blk(cfe), blk(dstp),
      rs_col, preidx, w_proj)
    return out

# --- scband reference (transcript-rebuilt; emitter-appended) ---
"""Pipeline reference for scband-hdnnp-31035433681587 (READ-ONLY COPY).

The authoritative reference and input builder live on the scoring server;
editing this copy changes nothing except your own understanding.
"""

import jax, jax.numpy as jnp
import numpy as np
import math

L = 2
N_NODES = 10000
N_EDGES = 160000
MAX_NUMBER = 8
R_CUTOFF = 6.0

def _gen_L():
    Ls = []
    for single_l in range(L + 1):
        tmp = []
        for ii in range(single_l + 1):
            for jj in range(single_l + 1):
                for kk in range(single_l + 1):
                    if ii + jj + kk == single_l:
                        tmp.append([ii, jj, kk])
        Ls.append(np.array(tmp, dtype=np.float32))
    return Ls

_L_blocks = _gen_L()
L_LIST = np.concatenate(_L_blocks, axis=0)  # (N_L, 3), N_L = 10 for L=2
N_L = L_LIST.shape[0]
_fact = np.vectorize(math.factorial)
L_PREIDX = (_fact(L_LIST.sum(-1).astype(np.int64)) / _fact(L_LIST.astype(np.int64)).prod(-1)).astype(np.float32)  # (N_L,)
R_S = np.linspace(0.0, 6.0, 64).astype(np.float32)  # (64,)
ALPHA = np.array([16.0], dtype=np.float32)  # (1,)
L_SUM = L_LIST.sum(-1).astype(np.int32)  # (N_L,)
ONEHOT_LSUM = (L_SUM[:, None] == np.arange(L + 1)[None, :]).astype(np.float32)  # (N_L, L+1)


def setup_inputs(seed: int = 0) -> dict:
    key = jax.random.key(seed)
    k1, k2, k3 = jax.random.split(key, 3)
    x = jax.random.normal(k1, (N_NODES, 3), dtype=jnp.float32)
    edge_index = jax.random.randint(k2, (2, N_EDGES), 0, N_NODES, dtype=jnp.int64) if jax.config.jax_enable_x64 else jax.random.randint(k2, (2, N_EDGES), 0, N_NODES, dtype=jnp.int32)
    atomic_numbers = jax.random.randint(k3, (N_NODES,), 0, MAX_NUMBER, dtype=edge_index.dtype)
    coeffs = jnp.ones((MAX_NUMBER, MAX_NUMBER), dtype=jnp.float32) / 10.0
    return {"x": x, "edge_index": edge_index, "atomic_numbers": atomic_numbers, "coeffs": coeffs}


def reference(x, edge_index, atomic_numbers, coeffs):
    src = edge_index[0]
    dst = edge_index[1]
    # PyG MessagePassing(aggr='add'), flow source_to_target: x_i = x[dst], x_j = x[src]
    x_i = x[dst]
    x_j = x[src]
    r_ij = x_i - x_j + 1e-06  # (E, 3)
    r_ij_norm = jnp.linalg.norm(r_ij, axis=-1)  # (E,)
    L_list = jnp.asarray(L_LIST)  # (N_L, 3)
    # left_res = prod(r_ij ** L_list, -1): (E, N_L)
    left_res = jnp.prod(r_ij[:, None, :] ** L_list[None, :, :], axis=-1)
    r_s = jnp.asarray(R_S)
    res_1 = (r_ij_norm[:, None] - r_s[None, :]) ** 2  # (E, 64)
    alpha = jnp.asarray(ALPHA)
    exp_res = jnp.exp(jnp.einsum('j,ik->ijk', -alpha, res_1))  # (E, 1, 64)
    density = jnp.einsum('il,ijk->ijkl', left_res, exp_res)  # (E, 1, 64, N_L)
    fc = (0.5 + 0.5 * jnp.cos(jnp.pi * r_ij_norm / R_CUTOFF)) ** 2  # (E,)
    density = density * fc[:, None, None, None]
    E = density.shape[0]
    density = density.reshape(E, -1)  # (E, 1*64*N_L)
    # pair index: sorted (Z_src, Z_dst)
    pair = jnp.sort(jnp.stack([atomic_numbers[src], atomic_numbers[dst]], axis=0), axis=0)  # (2, E)
    coeff_edge = coeffs[pair[0], pair[1]][:, None]  # (E, 1)
    density = density * coeff_edge
    N = x.shape[0]
    out = jax.ops.segment_sum(density, dst, num_segments=N)  # (N, 1*64*N_L)
    out = out.reshape(N, len(ALPHA), len(R_S), N_L)
    out = jnp.asarray(L_PREIDX) * out ** 2
    # scatter-add over last dim grouped by lx+ly+lz -> (N, 1, 64, L+1)
    out_total = out @ jnp.asarray(ONEHOT_LSUM)
    return out_total.reshape(N, -1)  # (N, 1*64*(L+1)) = (N, 192)

if __name__ == "__main__":
    import jax
    _d = setup_inputs()
    print(jax.jit(kernel)(*tuple(_d.values())))

</pallas_src>

<mosaic_0001>
#map = affine_map<(d0, d1) -> (0)>
module attributes {stable_mosaic.version = 14 : i64} {
  func.func @_sc_edge_kernel(%arg0: i32, %arg1: i32, %arg2: memref<10000xf32, #tpu.memory_space<hbm>>, %arg3: memref<10000xf32, #tpu.memory_space<hbm>>, %arg4: memref<10000xf32, #tpu.memory_space<hbm>>, %arg5: memref<10000xi32, #tpu.memory_space<hbm>>, %arg6: memref<64xf32, #tpu.memory_space<hbm>>, %arg7: memref<163840xi32, #tpu.memory_space<hbm>>, %arg8: memref<163840xi32, #tpu.memory_space<hbm>>, %arg9: memref<163840xf32, #tpu.memory_space<hbm>>, %arg10: memref<163840xf32, #tpu.memory_space<hbm>>, %arg11: memref<163840xf32, #tpu.memory_space<hbm>>, %arg12: memref<163840xf32, #tpu.memory_space<hbm>>, %arg13: memref<163840xf32, #tpu.memory_space<hbm>>, %arg14: memref<10000xf32, #tpu.memory_space<vmem>>, %arg15: memref<10000xf32, #tpu.memory_space<vmem>>, %arg16: memref<10000xf32, #tpu.memory_space<vmem>>, %arg17: memref<10000xi32, #tpu.memory_space<vmem>>, %arg18: memref<64xf32, #tpu.memory_space<vmem>>, %arg19: memref<5120xi32, #tpu.memory_space<vmem>>, %arg20: memref<5120xi32, #tpu.memory_space<vmem>>, %arg21: memref<5120xf32, #tpu.memory_space<vmem>>, %arg22: memref<5120xf32, #tpu.memory_space<vmem>>, %arg23: memref<5120xf32, #tpu.memory_space<vmem>>, %arg24: memref<5120xf32, #tpu.memory_space<vmem>>, %arg25: memref<5120xf32, #tpu.memory_space<vmem>>) attributes {dimension_semantics = [#tpu.dimension_semantics<core_parallel>, #tpu.dimension_semantics<subcore_parallel>], iteration_bounds = array<i64: 2, 16>, scalar_prefetch = 0 : i64, scratch_operands = 12 : i64, tpu.core_type = #tpu.core_type<sc_vector_subcore>, window_params = [{transform_indices = #map}, {transform_indices = #map}, {transform_indices = #map}, {transform_indices = #map}, {transform_indices = #map}, {transform_indices = #map}, {transform_indices = #map}, {transform_indices = #map}, {transform_indices = #map}, {transform_indices = #map}, {transform_indices = #map}, {transform_indices = #map}]} {
    %mul3A = arith.constant 2 : i32
    %mul3A_0 = arith.muli %arg1, %mul3A : i32
    %add3A = arith.addi %mul3A_0, %arg0 : i32
    %mul3A_1 = arith.constant 5120 : i32
    %mul3A_2 = arith.muli %add3A, %mul3A_1 : i32
    "tpu.region"() ({
      %run_scoped3A = tpu.sem_alloc : memref<!tpu.dma_semaphore, #tpu.memory_space<semaphore_mem>>
      tpu.enqueue_dma source(%arg2 : memref<10000xf32, #tpu.memory_space<hbm>>) target(%arg14 : memref<10000xf32, #tpu.memory_space<vmem>>) target_semaphore(%run_scoped3A : memref<!tpu.dma_semaphore, #tpu.memory_space<semaphore_mem>>)
      tpu.wait_dma2 semaphore(%run_scoped3A : memref<!tpu.dma_semaphore, #tpu.memory_space<semaphore_mem>>) src(%arg2 : memref<10000xf32, #tpu.memory_space<hbm>>) dst(%arg14 : memref<10000xf32, #tpu.memory_space<vmem>>)
      tpu.yield
    }) : () -> ()
    "tpu.region"() ({
      %run_scoped3A = tpu.sem_alloc : memref<!tpu.dma_semaphore, #tpu.memory_space<semaphore_mem>>
      tpu.enqueue_dma source(%arg3 : memref<10000xf32, #tpu.memory_space<hbm>>) target(%arg15 : memref<10000xf32, #tpu.memory_space<vmem>>) target_semaphore(%run_scoped3A : memref<!tpu.dma_semaphore, #tpu.memory_space<semaphore_mem>>)
      tpu.wait_dma2 semaphore(%run_scoped3A : memref<!tpu.dma_semaphore, #tpu.memory_space<semaphore_mem>>) src(%arg3 : memref<10000xf32, #tpu.memory_space<hbm>>) dst(%arg15 : memref<10000xf32, #tpu.memory_space<vmem>>)
      tpu.yield
    }) : () -> ()
    "tpu.region"() ({
      %run_scoped3A = tpu.sem_alloc : memref<!tpu.dma_semaphore, #tpu.memory_space<semaphore_mem>>
      tpu.enqueue_dma source(%arg4 : memref<10000xf32, #tpu.memory_space<hbm>>) target(%arg16 : memref<10000xf32, #tpu.memory_space<vmem>>) target_semaphore(%run_scoped3A : memref<!tpu.dma_semaphore, #tpu.memory_space<semaphore_mem>>)
      tpu.wait_dma2 semaphore(%run_scoped3A : memref<!tpu.dma_semaphore, #tpu.memory_space<semaphore_mem>>) src(%arg4 : memref<10000xf32, #tpu.memory_space<hbm>>) dst(%arg16 : memref<10000xf32, #tpu.memory_space<vmem>>)
      tpu.yield
    }) : () -> ()
    "tpu.region"() ({
      %run_scoped3A = tpu.sem_alloc : memref<!tpu.dma_semaphore, #tpu.memory_space<semaphore_mem>>
      tpu.enqueue_dma source(%arg5 : memref<10000xi32, #tpu.memory_space<hbm>>) target(%arg17 : memref<10000xi32, #tpu.memory_space<vmem>>) target_semaphore(%run_scoped3A : memref<!tpu.dma_semaphore, #tpu.memory_space<semaphore_mem>>)
      tpu.wait_dma2 semaphore(%run_scoped3A : memref<!tpu.dma_semaphore, #tpu.memory_space<semaphore_mem>>) src(%arg5 : memref<10000xi32, #tpu.memory_space<hbm>>) dst(%arg17 : memref<10000xi32, #tpu.memory_space<vmem>>)
      tpu.yield
    }) : () -> ()
    "tpu.region"() ({
      %run_scoped3A = tpu.sem_alloc : memref<!tpu.dma_semaphore, #tpu.memory_space<semaphore_mem>>
      tpu.enqueue_dma source(%arg6 : memref<64xf32, #tpu.memory_space<hbm>>) target(%arg18 : memref<64xf32, #tpu.memory_space<vmem>>) target_semaphore(%run_scoped3A : memref<!tpu.dma_semaphore, #tpu.memory_space<semaphore_mem>>)
      tpu.wait_dma2 semaphore(%run_scoped3A : memref<!tpu.dma_semaphore, #tpu.memory_space<semaphore_mem>>) src(%arg6 : memref<64xf32, #tpu.memory_space<hbm>>) dst(%arg18 : memref<64xf32, #tpu.memory_space<vmem>>)
      tpu.yield
    }) : () -> ()
    "tpu.region"() ({
      %run_scoped3A = tpu.sem_alloc : memref<!tpu.dma_semaphore, #tpu.memory_space<semaphore_mem>>
      %dma_start3A = tpu.memref_slice %arg7[%mul3A_2] : memref<163840xi32, #tpu.memory_space<hbm>> -> memref<5120xi32, #tpu.memory_space<hbm>>
      %dma_start3A_9 = tpu.memref_slice %arg7[%mul3A_2] : memref<163840xi32, #tpu.memory_space<hbm>> -> memref<5120xi32, #tpu.memory_space<hbm>>
      tpu.enqueue_dma source(%dma_start3A_9 : memref<5120xi32, #tpu.memory_space<hbm>>) target(%arg19 : memref<5120xi32, #tpu.memory_space<vmem>>) target_semaphore(%run_scoped3A : memref<!tpu.dma_semaphore, #tpu.memory_space<semaphore_mem>>)
      %dma_wait3A = tpu.memref_slice %arg7[%mul3A_2] : memref<163840xi32, #tpu.memory_space<hbm>> -> memref<5120xi32, #tpu.memory_space<hbm>>
      %dma_wait3A_10 = tpu.memref_slice %arg7[%mul3A_2] : memref<163840xi32, #tpu.memory_space<hbm>> -> memref<5120xi32, #tpu.memory_space<hbm>>
      tpu.wait_dma2 semaphore(%run_scoped3A : memref<!tpu.dma_semaphore, #tpu.memory_space<semaphore_mem>>) src(%dma_wait3A_10 : memref<5120xi32, #tpu.memory_space<hbm>>) dst(%arg19 : memref<5120xi32, #tpu.memory_space<vmem>>)
      tpu.yield
    }) : () -> ()
    "tpu.region"() ({
      %run_scoped3A = tpu.sem_alloc : memref<!tpu.dma_semaphore, #tpu.memory_space<semaphore_mem>>
      %dma_start3A = tpu.memref_slice %arg8[%mul3A_2] : memref<163840xi32, #tpu.memory_space<hbm>> -> memref<5120xi32, #tpu.memory_space<hbm>>
      %dma_start3A_9 = tpu.memref_slice %arg8[%mul3A_2] : memref<163840xi32, #tpu.memory_space<hbm>> -> memref<5120xi32, #tpu.memory_space<hbm>>
      tpu.enqueue_dma source(%dma_start3A_9 : memref<5120xi32, #tpu.memory_space<hbm>>) target(%arg20 : memref<5120xi32, #tpu.memory_space<vmem>>) target_semaphore(%run_scoped3A : memref<!tpu.dma_semaphore, #tpu.memory_space<semaphore_mem>>)
      %dma_wait3A = tpu.memref_slice %arg8[%mul3A_2] : memref<163840xi32, #tpu.memory_space<hbm>> -> memref<5120xi32, #tpu.memory_space<hbm>>
      %dma_wait3A_10 = tpu.memref_slice %arg8[%mul3A_2] : memref<163840xi32, #tpu.memory_space<hbm>> -> memref<5120xi32, #tpu.memory_space<hbm>>
      tpu.wait_dma2 semaphore(%run_scoped3A : memref<!tpu.dma_semaphore, #tpu.memory_space<semaphore_mem>>) src(%dma_wait3A_10 : memref<5120xi32, #tpu.memory_space<hbm>>) dst(%arg20 : memref<5120xi32, #tpu.memory_space<vmem>>)
      tpu.yield
    }) : () -> ()
    %scan3A = arith.constant 0 : i32
    %scan3A_3 = arith.constant 0 : i32
    %scan3A_4 = arith.constant 320 : i32
    %scan3A_5 = arith.addi %scan3A_3, %scan3A_4 : i32
    %scan3A_6 = arith.constant 1 : i32
    %scan3A_7 = scf.for %scan3A_9 = %scan3A_3 to %scan3A_5 step %scan3A_6 iter_args(%scan3A_10 = %scan3A) -> (i32)  : i32 {
      %mul3A_11 = arith.constant 16 : i32
      %mul3A_12 = arith.muli %scan3A_9, %mul3A_11 : i32
      %get3A = arith.index_cast %mul3A_12 : i32 to index
      %get3A_13 = tpu.vector_load %arg19[%get3A] {strides = array<i32>} : memref<5120xi32, #tpu.memory_space<vmem>>, vector<16xi32>,
      %get3A_14 = arith.index_cast %mul3A_12 : i32 to index
      %get3A_15 = tpu.vector_load %arg20[%get3A_14] {strides = array<i32>} : memref<5120xi32, #tpu.memory_space<vmem>>, vector<16xi32>,
      %gather3A = tpu.vector_load_idx %arg14[%get3A_13] : memref<10000xf32, #tpu.memory_space<vmem>>[vector<16xi32>], vector<16xf32>,
      %gather3A_16 = tpu.vector_load_idx %arg15[%get3A_13] : memref<10000xf32, #tpu.memory_space<vmem>>[vector<16xi32>], vector<16xf32>,
      %gather3A_17 = tpu.vector_load_idx %arg16[%get3A_13] : memref<10000xf32, #tpu.memory_space<vmem>>[vector<16xi32>], vector<16xf32>,
      %gather3A_18 = tpu.vector_load_idx %arg14[%get3A_15] : memref<10000xf32, #tpu.memory_space<vmem>>[vector<16xi32>], vector<16xf32>,
      %gather3A_19 = tpu.vector_load_idx %arg15[%get3A_15] : memref<10000xf32, #tpu.memory_space<vmem>>[vector<16xi32>], vector<16xf32>,
      %gather3A_20 = tpu.vector_load_idx %arg16[%get3A_15] : memref<10000xf32, #tpu.memory_space<vmem>>[vector<16xi32>], vector<16xf32>,
      %sub3A = arith.subf %gather3A_18, %gather3A : vector<16xf32>
      %add3A_21 = arith.constant 9.99999997E-7 : f32
      %add3A_22 = vector.broadcast %add3A_21 : f32 to vector<16xf32>
      %add3A_23 = arith.addf %sub3A, %add3A_22 : vector<16xf32>
      %sub3A_24 = arith.subf %gather3A_19, %gather3A_16 : vector<16xf32>
      %add3A_25 = arith.constant 9.99999997E-7 : f32
      %add3A_26 = vector.broadcast %add3A_25 : f32 to vector<16xf32>
      %add3A_27 = arith.addf %sub3A_24, %add3A_26 : vector<16xf32>
      %sub3A_28 = arith.subf %gather3A_20, %gather3A_17 : vector<16xf32>
      %add3A_29 = arith.constant 9.99999997E-7 : f32
      %add3A_30 = vector.broadcast %add3A_29 : f32 to vector<16xf32>
      %add3A_31 = arith.addf %sub3A_28, %add3A_30 : vector<16xf32>
      %mul3A_32 = arith.mulf %add3A_23, %add3A_23 : vector<16xf32>
      %mul3A_33 = arith.mulf %add3A_27, %add3A_27 : vector<16xf32>
      %add3A_34 = arith.addf %mul3A_32, %mul3A_33 : vector<16xf32>
      %mul3A_35 = arith.mulf %add3A_31, %add3A_31 : vector<16xf32>
      %add3A_36 = arith.addf %add3A_34, %mul3A_35 : vector<16xf32>
      %gather3A_37 = tpu.vector_load_idx %arg17[%get3A_13] : memref<10000xi32, #tpu.memory_space<vmem>>[vector<16xi32>], vector<16xi32>,
      %gather3A_38 = tpu.vector_load_idx %arg17[%get3A_15] : memref<10000xi32, #tpu.memory_space<vmem>>[vector<16xi32>], vector<16xi32>,
      %min3A = arith.minsi %gather3A_37, %gather3A_38 : vector<16xi32>
      %max3A = arith.maxsi %gather3A_37, %gather3A_38 : vector<16xi32>
      %mul3A_39 = arith.constant 8 : i32
      %mul3A_40 = vector.broadcast %mul3A_39 : i32 to vector<16xi32>
      %mul3A_41 = arith.muli %min3A, %mul3A_40 : vector<16xi32>
      %add3A_42 = arith.addi %mul3A_41, %max3A : vector<16xi32>
      %gather3A_43 = tpu.vector_load_idx %arg18[%add3A_42] : memref<64xf32, #tpu.memory_space<vmem>>[vector<16xi32>], vector<16xf32>,
      %swap3A = arith.index_cast %mul3A_12 : i32 to index
      %swap3A_44 = tpu.vector_load %arg21[%swap3A] {strides = array<i32>} : memref<5120xf32, #tpu.memory_space<vmem>>, vector<16xf32>,
      tpu.vector_store %arg21[%swap3A], %add3A_23 {strides = array<i32>} : memref<5120xf32, #tpu.memory_space<vmem>>, vector<16xf32>,
      %swap3A_45 = arith.index_cast %mul3A_12 : i32 to index
      %swap3A_46 = tpu.vector_load %arg22[%swap3A_45] {strides = array<i32>} : memref<5120xf32, #tpu.memory_space<vmem>>, vector<16xf32>,
      tpu.vector_store %arg22[%swap3A_45], %add3A_27 {strides = array<i32>} : memref<5120xf32, #tpu.memory_space<vmem>>, vector<16xf32>,
      %swap3A_47 = arith.index_cast %mul3A_12 : i32 to index
      %swap3A_48 = tpu.vector_load %arg23[%swap3A_47] {strides = array<i32>} : memref<5120xf32, #tpu.memory_space<vmem>>, vector<16xf32>,
      tpu.vector_store %arg23[%swap3A_47], %add3A_31 {strides = array<i32>} : memref<5120xf32, #tpu.memory_space<vmem>>, vector<16xf32>,
      %swap3A_49 = arith.index_cast %mul3A_12 : i32 to index
      %swap3A_50 = tpu.vector_load %arg24[%swap3A_49] {strides = array<i32>} : memref<5120xf32, #tpu.memory_space<vmem>>, vector<16xf32>,
      tpu.vector_store %arg24[%swap3A_49], %add3A_36 {strides = array<i32>} : memref<5120xf32, #tpu.memory_space<vmem>>, vector<16xf32>,
      %swap3A_51 = arith.index_cast %mul3A_12 : i32 to index
      %swap3A_52 = tpu.vector_load %arg25[%swap3A_51] {strides = array<i32>} : memref<5120xf32, #tpu.memory_space<vmem>>, vector<16xf32>,
      tpu.vector_store %arg25[%swap3A_51], %gather3A_43 {strides = array<i32>} : memref<5120xf32, #tpu.memory_space<vmem>>, vector<16xf32>,
      %scan3A_53 = arith.constant 0 : i32
      scf.yield %scan3A_53 : i32
    }
    %scan3A_8 = arith.constant 320 : i32
    "tpu.region"() ({
      %run_scoped3A = tpu.sem_alloc : memref<!tpu.dma_semaphore, #tpu.memory_space<semaphore_mem>>
      %dma_start3A = tpu.memref_slice %arg9[%mul3A_2] : memref<163840xf32, #tpu.memory_space<hbm>> -> memref<5120xf32, #tpu.memory_space<hbm>>
      %dma_start3A_9 = tpu.memref_slice %arg9[%mul3A_2] : memref<163840xf32, #tpu.memory_space<hbm>> -> memref<5120xf32, #tpu.memory_space<hbm>>
      tpu.enqueue_dma source(%arg21 : memref<5120xf32, #tpu.memory_space<vmem>>) target(%dma_start3A_9 : memref<5120xf32, #tpu.memory_space<hbm>>) target_semaphore(%run_scoped3A : memref<!tpu.dma_semaphore, #tpu.memory_space<semaphore_mem>>)
      %dma_wait3A = tpu.memref_slice %arg9[%mul3A_2] : memref<163840xf32, #tpu.memory_space<hbm>> -> memref<5120xf32, #tpu.memory_space<hbm>>
      %dma_wait3A_10 = tpu.memref_slice %arg9[%mul3A_2] : memref<163840xf32, #tpu.memory_space<hbm>> -> memref<5120xf32, #tpu.memory_space<hbm>>
      tpu.wait_dma2 semaphore(%run_scoped3A : memref<!tpu.dma_semaphore, #tpu.memory_space<semaphore_mem>>) src(%arg21 : memref<5120xf32, #tpu.memory_space<vmem>>) dst(%dma_wait3A_10 : memref<5120xf32, #tpu.memory_space<hbm>>)
      tpu.yield
    }) : () -> ()
    "tpu.region"() ({
      %run_scoped3A = tpu.sem_alloc : memref<!tpu.dma_semaphore, #tpu.memory_space<semaphore_mem>>
      %dma_start3A = tpu.memref_slice %arg10[%mul3A_2] : memref<163840xf32, #tpu.memory_space<hbm>> -> memref<5120xf32, #tpu.memory_space<hbm>>
      %dma_start3A_9 = tpu.memref_slice %arg10[%mul3A_2] : memref<163840xf32, #tpu.memory_space<hbm>> -> memref<5120xf32, #tpu.memory_space<hbm>>
      tpu.enqueue_dma source(%arg22 : memref<5120xf32, #tpu.memory_space<vmem>>) target(%dma_start3A_9 : memref<5120xf32, #tpu.memory_space<hbm>>) target_semaphore(%run_scoped3A : memref<!tpu.dma_semaphore, #tpu.memory_space<semaphore_mem>>)
      %dma_wait3A = tpu.memref_slice %arg10[%mul3A_2] : memref<163840xf32, #tpu.memory_space<hbm>> -> memref<5120xf32, #tpu.memory_space<hbm>>
      %dma_wait3A_10 = tpu.memref_slice %arg10[%mul3A_2] : memref<163840xf32, #tpu.memory_space<hbm>> -> memref<5120xf32, #tpu.memory_space<hbm>>
      tpu.wait_dma2 semaphore(%run_scoped3A : memref<!tpu.dma_semaphore, #tpu.memory_space<semaphore_mem>>) src(%arg22 : memref<5120xf32, #tpu.memory_space<vmem>>) dst(%dma_wait3A_10 : memref<5120xf32, #tpu.memory_space<hbm>>)
      tpu.yield
    }) : () -> ()
    "tpu.region"() ({
      %run_scoped3A = tpu.sem_alloc : memref<!tpu.dma_semaphore, #tpu.memory_space<semaphore_mem>>
      %dma_start3A = tpu.memref_slice %arg11[%mul3A_2] : memref<163840xf32, #tpu.memory_space<hbm>> -> memref<5120xf32, #tpu.memory_space<hbm>>
      %dma_start3A_9 = tpu.memref_slice %arg11[%mul3A_2] : memref<163840xf32, #tpu.memory_space<hbm>> -> memref<5120xf32, #tpu.memory_space<hbm>>
      tpu.enqueue_dma source(%arg23 : memref<5120xf32, #tpu.memory_space<vmem>>) target(%dma_start3A_9 : memref<5120xf32, #tpu.memory_space<hbm>>) target_semaphore(%run_scoped3A : memref<!tpu.dma_semaphore, #tpu.memory_space<semaphore_mem>>)
      %dma_wait3A = tpu.memref_slice %arg11[%mul3A_2] : memref<163840xf32, #tpu.memory_space<hbm>> -> memref<5120xf32, #tpu.memory_space<hbm>>
      %dma_wait3A_10 = tpu.memref_slice %arg11[%mul3A_2] : memref<163840xf32, #tpu.memory_space<hbm>> -> memref<5120xf32, #tpu.memory_space<hbm>>
      tpu.wait_dma2 semaphore(%run_scoped3A : memref<!tpu.dma_semaphore, #tpu.memory_space<semaphore_mem>>) src(%arg23 : memref<5120xf32, #tpu.memory_space<vmem>>) dst(%dma_wait3A_10 : memref<5120xf32, #tpu.memory_space<hbm>>)
      tpu.yield
    }) : () -> ()
    "tpu.region"() ({
      %run_scoped3A = tpu.sem_alloc : memref<!tpu.dma_semaphore, #tpu.memory_space<semaphore_mem>>
      %dma_start3A = tpu.memref_slice %arg12[%mul3A_2] : memref<163840xf32, #tpu.memory_space<hbm>> -> memref<5120xf32, #tpu.memory_space<hbm>>
      %dma_start3A_9 = tpu.memref_slice %arg12[%mul3A_2] : memref<163840xf32, #tpu.memory_space<hbm>> -> memref<5120xf32, #tpu.memory_space<hbm>>
      tpu.enqueue_dma source(%arg24 : memref<5120xf32, #tpu.memory_space<vmem>>) target(%dma_start3A_9 : memref<5120xf32, #tpu.memory_space<hbm>>) target_semaphore(%run_scoped3A : memref<!tpu.dma_semaphore, #tpu.memory_space<semaphore_mem>>)
      %dma_wait3A = tpu.memref_slice %arg12[%mul3A_2] : memref<163840xf32, #tpu.memory_space<hbm>> -> memref<5120xf32, #tpu.memory_space<hbm>>
      %dma_wait3A_10 = tpu.memref_slice %arg12[%mul3A_2] : memref<163840xf32, #tpu.memory_space<hbm>> -> memref<5120xf32, #tpu.memory_space<hbm>>
      tpu.wait_dma2 semaphore(%run_scoped3A : memref<!tpu.dma_semaphore, #tpu.memory_space<semaphore_mem>>) src(%arg24 : memref<5120xf32, #tpu.memory_space<vmem>>) dst(%dma_wait3A_10 : memref<5120xf32, #tpu.memory_space<hbm>>)
      tpu.yield
    }) : () -> ()
    "tpu.region"() ({
      %run_scoped3A = tpu.sem_alloc : memref<!tpu.dma_semaphore, #tpu.memory_space<semaphore_mem>>
      %dma_start3A = tpu.memref_slice %arg13[%mul3A_2] : memref<163840xf32, #tpu.memory_space<hbm>> -> memref<5120xf32, #tpu.memory_space<hbm>>
      %dma_start3A_9 = tpu.memref_slice %arg13[%mul3A_2] : memref<163840xf32, #tpu.memory_space<hbm>> -> memref<5120xf32, #tpu.memory_space<hbm>>
      tpu.enqueue_dma source(%arg25 : memref<5120xf32, #tpu.memory_space<vmem>>) target(%dma_start3A_9 : memref<5120xf32, #tpu.memory_space<hbm>>) target_semaphore(%run_scoped3A : memref<!tpu.dma_semaphore, #tpu.memory_space<semaphore_mem>>)
      %dma_wait3A = tpu.memref_slice %arg13[%mul3A_2] : memref<163840xf32, #tpu.memory_space<hbm>> -> memref<5120xf32, #tpu.memory_space<hbm>>
      %dma_wait3A_10 = tpu.memref_slice %arg13[%mul3A_2] : memref<163840xf32, #tpu.memory_space<hbm>> -> memref<5120xf32, #tpu.memory_space<hbm>>
      tpu.wait_dma2 semaphore(%run_scoped3A : memref<!tpu.dma_semaphore, #tpu.memory_space<semaphore_mem>>) src(%arg25 : memref<5120xf32, #tpu.memory_space<vmem>>) dst(%dma_wait3A_10 : memref<5120xf32, #tpu.memory_space<hbm>>)
      tpu.yield
    }) : () -> ()
    return
  }
}

module attributes {stable_mosaic.version = 14 : i64} {
  func.func @_tc_dense_kernel(%arg0: i32, %arg1: i32, %arg2: memref<1x1x8192xf32, #tpu.memory_space<vmem>>, %arg3: memref<1x1x8192xf32, #tpu.memory_space<vmem>>, %arg4: memref<1x1x8192xf32, #tpu.memory_space<vmem>>, %arg5: memref<1x1x8192xf32, #tpu.memory_space<vmem>>, %arg6: memref<1x1x8192xf32, #tpu.memory_space<vmem>>, %arg7: memref<1x1x8192xi32, #tpu.memory_space<vmem>>, %arg8: memref<64x1xf32, #tpu.memory_space<vmem>>, %arg9: memref<1x640xf32, #tpu.memory_space<vmem>>, %arg10: memref<640x192xf32, #tpu.memory_space<vmem>>, %arg11: memref<2000x192xf32, #tpu.memory_space<vmem>>, %arg12: memref<2000x640xf32, #tpu.memory_space<vmem>>) attributes {dimension_semantics = [#tpu.dimension_semantics<arbitrary>, #tpu.dimension_semantics<arbitrary>], iteration_bounds = array<i64: 5, 20>, scalar_prefetch = 0 : i64, scratch_operands = 1 : i64, tpu.core_type = #tpu.core_type<tc>, window_params = [{transform_indices = @transform_0, window_bounds = array<i64: 1, 1, 8192>}, {transform_indices = @transform_1, window_bounds = array<i64: 1, 1, 8192>}, {transform_indices = @transform_2, window_bounds = array<i64: 1, 1, 8192>}, {transform_indices = @transform_3, window_bounds = array<i64: 1, 1, 8192>}, {transform_indices = @transform_4, window_bounds = array<i64: 1, 1, 8192>}, {transform_indices = @transform_5, window_bounds = array<i64: 1, 1, 8192>}, {pipeline_mode = #tpu.pipeline_mode<synchronous>, transform_indices = @transform_6, window_bounds = array<i64: 64, 1>}, {pipeline_mode = #tpu.pipeline_mode<synchronous>, transform_indices = @transform_7, window_bounds = array<i64: 1, 640>}, {pipeline_mode = #tpu.pipeline_mode<synchronous>, transform_indices = @transform_8, window_bounds = array<i64: 640, 192>}, {transform_indices = @transform_9, window_bounds = array<i64: 2000, 192>}]} {
    %eq3A = arith.constant 0 : i32
    %eq3A_0 = arith.cmpi eq, %arg1, %eq3A : i32
    %convert_element_type3A = arith.extui %eq3A_0 : i1 to i32
    %cond3A = arith.constant 0 : i32
    %cond3A_1 = arith.cmpi ne, %convert_element_type3A, %cond3A : i32
    scf.if %cond3A_1 {
      %broadcast_in_dim3A_97 = arith.constant 0.000000e+00 : f32
      %broadcast_in_dim3A_98 = vector.broadcast %broadcast_in_dim3A_97 : f32 to vector<2000x640xf32>
      %swap3A_99 = arith.constant 0 : index
      %swap3A_100 = arith.constant 0 : index
      %swap3A_101 = vector.load %arg12[%swap3A_99, %swap3A_100] : memref<2000x640xf32, #tpu.memory_space<vmem>>, vector<2000x640xf32>
      tpu.vector_store %arg12[%swap3A_99, %swap3A_100], %broadcast_in_dim3A_98 {strides = array<i32>} : memref<2000x640xf32, #tpu.memory_space<vmem>>, vector<2000x640xf32>,
    } else {
    }
    %get3A = arith.constant 0 : index
    %get3A_2 = arith.constant 0 : index
    %get3A_3 = arith.constant 0 : index
    %get3A_4 = vector.load %arg2[%get3A, %get3A_2, %get3A_3] : memref<1x1x8192xf32, #tpu.memory_space<vmem>>, vector<1x1x8192xf32>
    %get3A_5 = vector.shape_cast %get3A_4 : vector<1x1x8192xf32> to vector<1x8192xf32>
    %get3A_6 = arith.constant 0 : index
    %get3A_7 = arith.constant 0 : index
    %get3A_8 = arith.constant 0 : index
    %get3A_9 = vector.load %arg3[%get3A_6, %get3A_7, %get3A_8] : memref<1x1x8192xf32, #tpu.memory_space<vmem>>, vector<1x1x8192xf32>
    %get3A_10 = vector.shape_cast %get3A_9 : vector<1x1x8192xf32> to vector<1x8192xf32>
    %get3A_11 = arith.constant 0 : index
    %get3A_12 = arith.constant 0 : index
    %get3A_13 = arith.constant 0 : index
    %get3A_14 = vector.load %arg4[%get3A_11, %get3A_12, %get3A_13] : memref<1x1x8192xf32, #tpu.memory_space<vmem>>, vector<1x1x8192xf32>
    %get3A_15 = vector.shape_cast %get3A_14 : vector<1x1x8192xf32> to vector<1x8192xf32>
    %get3A_16 = arith.constant 0 : index
    %get3A_17 = arith.constant 0 : index
    %get3A_18 = arith.constant 0 : index
    %get3A_19 = vector.load %arg5[%get3A_16, %get3A_17, %get3A_18] : memref<1x1x8192xf32, #tpu.memory_space<vmem>>, vector<1x1x8192xf32>
    %get3A_20 = vector.shape_cast %get3A_19 : vector<1x1x8192xf32> to vector<1x8192xf32>
    %get3A_21 = arith.constant 0 : index
    %get3A_22 = arith.constant 0 : index
    %get3A_23 = arith.constant 0 : index
    %get3A_24 = vector.load %arg6[%get3A_21, %get3A_22, %get3A_23] : memref<1x1x8192xf32, #tpu.memory_space<vmem>>, vector<1x1x8192xf32>
    %get3A_25 = vector.shape_cast %get3A_24 : vector<1x1x8192xf32> to vector<1x8192xf32>
    %get3A_26 = arith.constant 0 : index
    %get3A_27 = arith.constant 0 : index
    %get3A_28 = arith.constant 0 : index
    %get3A_29 = vector.load %arg7[%get3A_26, %get3A_27, %get3A_28] : memref<1x1x8192xi32, #tpu.memory_space<vmem>>, vector<1x1x8192xi32>
    %get3A_30 = vector.shape_cast %get3A_29 : vector<1x1x8192xi32> to vector<1x8192xi32>
    %sqrt3A = math.sqrt %get3A_20 : vector<1x8192xf32>
    %mul3A = arith.constant 3.14159274 : f32
    %mul3A_31 = vector.broadcast %mul3A : f32 to vector<1x8192xf32>
    %mul3A_32 = arith.mulf %mul3A_31, %sqrt3A : vector<1x8192xf32>
    %div3A = arith.constant 6.000000e+00 : f32
    %div3A_33 = vector.broadcast %div3A : f32 to vector<1x8192xf32>
    %div3A_34 = arith.divf %mul3A_32, %div3A_33 : vector<1x8192xf32>
    %cos3A = math.cos %div3A_34 : vector<1x8192xf32>
    %mul3A_35 = arith.constant 5.000000e-01 : f32
    %mul3A_36 = vector.broadcast %mul3A_35 : f32 to vector<1x8192xf32>
    %mul3A_37 = arith.mulf %mul3A_36, %cos3A : vector<1x8192xf32>
    %add3A = arith.constant 5.000000e-01 : f32
    %add3A_38 = vector.broadcast %add3A : f32 to vector<1x8192xf32>
    %add3A_39 = arith.addf %add3A_38, %mul3A_37 : vector<1x8192xf32>
    %mul3A_40 = arith.constant 8192 : i32
    %mul3A_41 = arith.muli %arg1, %mul3A_40 : i32
    %iota3A = tpu.iota {dimensions = array<i32: 1>} : vector<1x8192xi32>
    %add3A_42 = vector.broadcast %mul3A_41 : i32 to vector<1x8192xi32>
    %add3A_43 = arith.addi %add3A_42, %iota3A : vector<1x8192xi32>
    %lt3A = arith.constant 160000 : i32
    %lt3A_44 = vector.broadcast %lt3A : i32 to vector<1x8192xi32>
    %lt3A_45 = arith.cmpi slt, %add3A_43, %lt3A_44 : vector<1x8192xi32>
    %convert_element_type3A_46 = arith.extui %lt3A_45 : vector<1x8192xi1> to vector<1x8192xi32>
    %convert_element_type3A_47 = arith.sitofp %convert_element_type3A_46 : vector<1x8192xi32> to vector<1x8192xf32>
    %mul3A_48 = arith.mulf %add3A_39, %add3A_39 : vector<1x8192xf32>
    %mul3A_49 = arith.mulf %mul3A_48, %get3A_25 : vector<1x8192xf32>
    %mul3A_50 = arith.mulf %mul3A_49, %convert_element_type3A_47 : vector<1x8192xf32>
    %get3A_51 = arith.constant 0 : index
    %get3A_52 = arith.constant 0 : index
    %get3A_53 = vector.load %arg8[%get3A_51, %get3A_52] : memref<64x1xf32, #tpu.memory_space<vmem>>, vector<64x1xf32>
    %sub3A = vector.broadcast %sqrt3A : vector<1x8192xf32> to vector<64x8192xf32>
    %sub3A_54 = vector.broadcast %get3A_53 : vector<64x1xf32> to vector<64x8192xf32>
    %sub3A_55 = arith.subf %sub3A, %sub3A_54 : vector<64x8192xf32>
    %mul3A_56 = arith.constant -1.600000e+01 : f32
    %mul3A_57 = vector.broadcast %mul3A_56 : f32 to vector<64x8192xf32>
    %mul3A_58 = arith.mulf %mul3A_57, %sub3A_55 : vector<64x8192xf32>
    %mul3A_59 = arith.mulf %mul3A_58, %sub3A_55 : vector<64x8192xf32>
    %exp3A = math.exp %mul3A_59 : vector<64x8192xf32>
    %broadcast_in_dim3A = arith.constant 1.000000e+00 : f32
    %broadcast_in_dim3A_60 = vector.broadcast %broadcast_in_dim3A : f32 to vector<1x8192xf32>
    %mul3A_61 = arith.mulf %get3A_15, %get3A_15 : vector<1x8192xf32>
    %mul3A_62 = arith.mulf %get3A_10, %get3A_15 : vector<1x8192xf32>
    %mul3A_63 = arith.mulf %get3A_10, %get3A_10 : vector<1x8192xf32>
    %mul3A_64 = arith.mulf %get3A_5, %get3A_15 : vector<1x8192xf32>
    %mul3A_65 = arith.mulf %get3A_5, %get3A_10 : vector<1x8192xf32>
    %mul3A_66 = arith.mulf %get3A_5, %get3A_5 : vector<1x8192xf32>
    %concatenate3A = tpu.concatenate %broadcast_in_dim3A_60, %get3A_15, %get3A_10, %get3A_5, %mul3A_61, %mul3A_62, %mul3A_63, %mul3A_64, %mul3A_65, %mul3A_66 in 0 : vector<1x8192xf32>, vector<1x8192xf32>, vector<1x8192xf32>, vector<1x8192xf32>, vector<1x8192xf32>, vector<1x8192xf32>, vector<1x8192xf32>, vector<1x8192xf32>, vector<1x8192xf32>, vector<1x8192xf32> -> vector<10x8192xf32>
    %mul3A_67 = vector.broadcast %mul3A_50 : vector<1x8192xf32> to vector<10x8192xf32>
    %mul3A_68 = arith.mulf %concatenate3A, %mul3A_67 : vector<10x8192xf32>
    %broadcast_in_dim3A_69 = vector.shape_cast %exp3A : vector<64x8192xf32> to vector<64x1x8192xf32>
    %broadcast_in_dim3A_70 = vector.shape_cast %mul3A_68 : vector<10x8192xf32> to vector<1x10x8192xf32>
    %mul3A_71 = vector.broadcast %broadcast_in_dim3A_69 : vector<64x1x8192xf32> to vector<64x10x8192xf32>
    %mul3A_72 = vector.broadcast %broadcast_in_dim3A_70 : vector<1x10x8192xf32> to vector<64x10x8192xf32>
    %mul3A_73 = arith.mulf %mul3A_71, %mul3A_72 : vector<64x10x8192xf32>
    %reshape3A = vector.shape_cast %mul3A_73 : vector<64x10x8192xf32> to vector<640x8192xf32>
    %convert_element_type3A_74 = arith.truncf %reshape3A : vector<640x8192xf32> to vector<640x8192xbf16>
    %mul3A_75 = arith.constant 2000 : i32
    %mul3A_76 = arith.muli %arg0, %mul3A_75 : i32
    %iota3A_77 = tpu.iota {dimensions = array<i32: 0>} : vector<2000x8192xi32>
    %add3A_78 = vector.broadcast %mul3A_76 : i32 to vector<2000x8192xi32>
    %add3A_79 = arith.addi %add3A_78, %iota3A_77 : vector<2000x8192xi32>
    %eq3A_80 = vector.broadcast %get3A_30 : vector<1x8192xi32> to vector<2000x8192xi32>
    %eq3A_81 = arith.cmpi eq, %add3A_79, %eq3A_80 : vector<2000x8192xi32>
    %convert_element_type3A_82 = arith.extui %eq3A_81 : vector<2000x8192xi1> to vector<2000x8192xi32>
    %convert_element_type3A_83 = arith.sitofp %convert_element_type3A_82 : vector<2000x8192xi32> to vector<2000x8192xf32>
    %convert_element_type3A_84 = arith.truncf %convert_element_type3A_83 : vector<2000x8192xf32> to vector<2000x8192xbf16>
    %get3A_85 = arith.constant 0 : index
    %get3A_86 = arith.constant 0 : index
    %get3A_87 = vector.load %arg12[%get3A_85, %get3A_86] : memref<2000x640xf32, #tpu.memory_space<vmem>>, vector<2000x640xf32>
    %dot_general3A = arith.constant dense<0.000000e+00> : vector<2000x640xf32>
    %dot_general3A_88 = tpu.matmul %convert_element_type3A_84, %convert_element_type3A_74, %dot_general3A {dimension_numbers = #tpu.dot_dimension_numbers<[1], [1], [0], [0], [0, 0, 1, 0], [], []>, transpose_lhs_hint = false} : vector<2000x8192xbf16>, vector<640x8192xbf16>, vector<2000x640xf32> -> vector<2000x640xf32>
    %add3A_89 = arith.addf %get3A_87, %dot_general3A_88 : vector<2000x640xf32>
    %swap3A = arith.constant 0 : index
    %swap3A_90 = arith.constant 0 : index
    %swap3A_91 = vector.load %arg12[%swap3A, %swap3A_90] : memref<2000x640xf32, #tpu.memory_space<vmem>>, vector<2000x640xf32>
    tpu.vector_store %arg12[%swap3A, %swap3A_90], %add3A_89 {strides = array<i32>} : memref<2000x640xf32, #tpu.memory_space<vmem>>, vector<2000x640xf32>,
    %eq3A_92 = arith.constant 19 : i32
    %eq3A_93 = arith.cmpi eq, %arg1, %eq3A_92 : i32
    %convert_element_type3A_94 = arith.extui %eq3A_93 : i1 to i32
    %cond3A_95 = arith.constant 0 : i32
    %cond3A_96 = arith.cmpi ne, %convert_element_type3A_94, %cond3A_95 : i32
    scf.if %cond3A_96 {
      %get3A_97 = arith.constant 0 : index
      %get3A_98 = arith.constant 0 : index
      %get3A_99 = vector.load %arg12[%get3A_97, %get3A_98] : memref<2000x640xf32, #tpu.memory_space<vmem>>, vector<2000x640xf32>
      %get3A_100 = arith.constant 0 : index
      %get3A_101 = arith.constant 0 : index
      %get3A_102 = vector.load %arg9[%get3A_100, %get3A_101] : memref<1x640xf32, #tpu.memory_space<vmem>>, vector<1x640xf32>
      %mul3A_103 = vector.broadcast %get3A_102 : vector<1x640xf32> to vector<2000x640xf32>
      %mul3A_104 = arith.mulf %mul3A_103, %get3A_99 : vector<2000x640xf32>
      %mul3A_105 = arith.mulf %mul3A_104, %get3A_99 : vector<2000x640xf32>
      %get3A_106 = arith.constant 0 : index
      %get3A_107 = arith.constant 0 : index
      %get3A_108 = vector.load %arg10[%get3A_106, %get3A_107] : memref<640x192xf32, #tpu.memory_space<vmem>>, vector<640x192xf32>
      %dot_general3A_109 = arith.constant dense<0.000000e+00> : vector<2000x192xf32>
      %dot_general3A_110 = tpu.matmul %mul3A_105, %get3A_108, %dot_general3A_109 {dimension_numbers = #tpu.dot_dimension_numbers<[1], [0], [0], [1], [0, 0, 1, 1], [], []>, transpose_lhs_hint = false} : vector<2000x640xf32>, vector<640x192xf32>, vector<2000x192xf32> -> vector<2000x192xf32>
      %swap3A_111 = arith.constant 0 : index
      %swap3A_112 = arith.constant 0 : index
      %swap3A_113 = vector.load %arg11[%swap3A_111, %swap3A_112] : memref<2000x192xf32, #tpu.memory_space<vmem>>, vector<2000x192xf32>
      tpu.vector_store %arg11[%swap3A_111, %swap3A_112], %dot_general3A_110 {strides = array<i32>} : memref<2000x192xf32, #tpu.memory_space<vmem>>, vector<2000x192xf32>,
    } else {
    }
    return
  }
  func.func @transform_0(%arg0: i32, %arg1: i32) -> (i32, i32, i32) {
    %c0_i32 = arith.constant 0 : i32
    %c0_i32_0 = arith.constant 0 : i32
    %c0_i32_1 = arith.constant 0 : i32
    return %arg1, %c0_i32, %c0_i32_0 : i32, i32, i32
  }
  func.func @transform_1(%arg0: i32, %arg1: i32) -> (i32, i32, i32) {
    %c0_i32 = arith.constant 0 : i32
    %c0_i32_0 = arith.constant 0 : i32
    %c0_i32_1 = arith.constant 0 : i32
    return %arg1, %c0_i32, %c0_i32_0 : i32, i32, i32
  }
  func.func @transform_2(%arg0: i32, %arg1: i32) -> (i32, i32, i32) {
    %c0_i32 = arith.constant 0 : i32
    %c0_i32_0 = arith.constant 0 : i32
    %c0_i32_1 = arith.constant 0 : i32
    return %arg1, %c0_i32, %c0_i32_0 : i32, i32, i32
  }
  func.func @transform_3(%arg0: i32, %arg1: i32) -> (i32, i32, i32) {
    %c0_i32 = arith.constant 0 : i32
    %c0_i32_0 = arith.constant 0 : i32
    %c0_i32_1 = arith.constant 0 : i32
    return %arg1, %c0_i32, %c0_i32_0 : i32, i32, i32
  }
  func.func @transform_4(%arg0: i32, %arg1: i32) -> (i32, i32, i32) {
    %c0_i32 = arith.constant 0 : i32
    %c0_i32_0 = arith.constant 0 : i32
    %c0_i32_1 = arith.constant 0 : i32
    return %arg1, %c0_i32, %c0_i32_0 : i32, i32, i32
  }
  func.func @transform_5(%arg0: i32, %arg1: i32) -> (i32, i32, i32) {
    %c0_i32 = arith.constant 0 : i32
    %c0_i32_0 = arith.constant 0 : i32
    %c0_i32_1 = arith.constant 0 : i32
    return %arg1, %c0_i32, %c0_i32_0 : i32, i32, i32
  }
  func.func @transform_6(%arg0: i32, %arg1: i32) -> (i32, i32) {
    %c0_i32 = arith.constant 0 : i32
    %c0_i32_0 = arith.constant 0 : i32
    %c0_i32_1 = arith.constant 0 : i32
    return %c0_i32, %c0_i32_0 : i32, i32
  }
  func.func @transform_7(%arg0: i32, %arg1: i32) -> (i32, i32) {
    %c0_i32 = arith.constant 0 : i32
    %c0_i32_0 = arith.constant 0 : i32
    %c0_i32_1 = arith.constant 0 : i32
    return %c0_i32, %c0_i32_0 : i32, i32
  }
  func.func @transform_8(%arg0: i32, %arg1: i32) -> (i32, i32) {
    %c0_i32 = arith.constant 0 : i32
    %c0_i32_0 = arith.constant 0 : i32
    %c0_i32_1 = arith.constant 0 : i32
    return %c0_i32, %c0_i32_0 : i32, i32
  }
  func.func @transform_9(%arg0: i32, %arg1: i32) -> (i32, i32) {
    %c0_i32 = arith.constant 0 : i32
    %c0_i32_0 = arith.constant 0 : i32
    return %arg0, %c0_i32 : i32, i32
  }
}

</mosaic_0001>

<sc_bundles>
// kernel: kernel.4.cloned.1.call-start
scs
__scs_entry_jumppad:
0x0: {  	(pc) =	sbr.rel $0x88, $3  }
0x1: {  	(tag) =	ssettag $0x0;
	lr =	simm.s32 $0x1  }
0x2: {  	[smem:$0x3F9D] =	sst lr;
	_ =	strace $0xD0000000  }
0x3: {  	_ = 	snop  }
0x4: {  	_ = 	snop  }
0x5: {  	_ = 	snop  }
0x6: {  	_ = 	snop  }
0x7: {  	_ = 	snop  }
__scs_overlays_trampoline_lowered:
0x8: {  	[smem:$0x3FAC] =	sst s0  }
0x9: {  	[smem:$0x3FAD] =	sst s1  }
0xa: {  	[smem:$0x3FAE] =	sst s2  }
0xb: {  	[smem:$0x3FAF] =	sst s3  }
0xc: {  	[smem:$0x3FB0] =	sst s4  }
0xd: {  	[smem:$0x3FB1] =	sst s5  }
0xe: {  	[smem:$0x3FB2] =	sst s6  }
0xf: {  	[smem:$0x3FB3] =	sst s7  }
0x10: {  	[smem:$0x3FB4] =	sst s8  }
0x11: {  	[smem:$0x3FB5] =	sst s9;
	s0 =	simm.s32 @!p0 $0x0  }
0x12: {  	s1 =	sld [smem:$0x3F9B];
	s0 =	simm.s32 @p0 $0x1  }
0x13: {  	[smem:$0x3FB6] =	sst s0;
	s0 =	simm.s32 @!p1 $0x0  }
0x14: {  	s2 =	sld [smem:$0x3F9A];
	s0 =	simm.s32 @p1 $0x1  }
0x15: {  	[smem:$0x3FB7] =	sst s0;
	s0 =	simm.s32 @!p2 $0x0  }
0x16: {  	s3 =	sld [smem:$0x3FDB];
	s0 =	simm.s32 @p2 $0x1  }
0x17: {  	s4 =	simm.s32 $0x1BF5;
	[smem:$0x3FB9] =	sst s0  }
0x18: {  	s0 =	sld [smem:$0x3F9C];
	_ =	swait.ge [sflag:s4], $0x0  }
0x19: {  	s7 =	sld [smem:$0x3F9D]  }
0x1a: {  	s8 =	sadd.s32 $0xFFFFE003, lr  }
0x1b: {  	s9 =	sadd.s32 $0xFFFFFEF7, lr;
	s5 =	simm.s32 $0xFFFFFFFF;
	p2 =	slt.u32 s8, $0xFFFFF086  }
0x1c: {  	p1 =	slt.u32 s9, $0xF7A;
	s5 =	simm.s32 @!p2 $0x0  }
0x1d: {  	s5 =	simm.s32 @p1 $0x1;
	p0 =	seq.s32 s7, s2  }
0x1e: {  	s7 =	smul.u32 @!p0 $0xF7A, s2;
	p2 =	seq.s32 @!p0 s5, $0x0  }
0x1f: {  	s9 =	smul.u32 $0xF7A, s1;
	s8 =	simm.s32 @!p0 $0x1BF5;
	p2 =	por !p2, p0  }
0x20: {  	[sflag:s8] =	ssyncset.s32 @!p0 $0xFFFFF086;
	s6 =	sadd.s32 @!p0 s3, s7;
	s7 =	simm.s32 @!p0 $0x108  }
0x21: {  	s3 =	sadd.s32 s3, s9;
	s6 =	sadd.s32 @!p0 $0x88, s6;
	s7 =	simm.s32 @p2 $0x1082  }
0x22: {  	[simem:s7], [sflag:s8] =	dma.local @!p0 [hbm:s6], $0xF7A  }
0x23: {  	s9 =	sor.u32 $0xD0000000, s2;
	s6 =	simm.s32 $0x108;
	_ =	swait.ge @!p0 [sflag:s8], $0x0  }
0x24: {  	s3 =	sadd.s32 $0x88, s3;
	s6 =	simm.s32 @!p1 $0x1082;
	[sflag:s4] =	ssyncset.s32 $0xFFFFF086  }
0x25: {  	[simem:s6], [sflag:s4] =	dma.local [hbm:s3], $0xF7A  }
0x26: {  	[smem:$0x3F9D] =	sst s1;
	(tag) =	ssettag s2;
	_ =	strace s9  }
0x27: {  	s1 =	sld [smem:$0x3FAD]  }
0x28: {  	s2 =	sld [smem:$0x3FAE]  }
0x29: {  	s4 =	sld [smem:$0x3FB0]  }
0x2a: {  	p0 =	seq.s32 s5, $0x0;
	s5 =	sld [smem:$0x3FB1]  }
0x2b: {  	s6 =	sld [smem:$0x3FB2]  }
0x2c: {  	s7 =	sld [smem:$0x3FB3]  }
0x2d: {  	s3 =	simm.s32 $0x108;
	s8 =	sld [smem:$0x3FB4]  }
0x2e: {  	s3 =	simm.s32 @!p0 $0x1082;
	s9 =	sld [smem:$0x3FB5]  }
0x2f: {  	lr =	sadd.s32 s0, s3;
	s0 =	sld [smem:$0x3FAC]  }
0x30: {  	s3 =	sld [smem:$0x3FAF]  }
0x31: {  	[smem:$0x3FB8] =	sst s10  }
0x32: {  	s10 =	sld [smem:$0x3FB6];
	_ =	sdelay $0x3  }
0x33: {  	p0 =	seq.s32 s10, $0x1;
	s10 =	sld [smem:$0x3FB8];
	_ =	sdelay $0x3  }
0x34: {  	[smem:$0x3FB8] =	sst s10  }
0x35: {  	s10 =	sld [smem:$0x3FB7];
	_ =	sdelay $0x3  }
0x36: {  	p1 =	seq.s32 s10, $0x1;
	s10 =	sld [smem:$0x3FB8];
	_ =	sdelay $0x3  }
0x37: {  	[smem:$0x3FB8] =	sst s10  }
0x38: {  	s10 =	sld [smem:$0x3FB9]  }
0x39: {  	_ = 	snop;
	(pc) =	sbr.ind lr, $3  }
0x3a: {  	_ = 	snop  }
0x3b: {  	_ = 	snop  }
0x3c: {  	p2 =	seq.s32 s10, $0x1;
	s10 =	sld [smem:$0x3FB8]  }
0x3d: {  	_ =	shalt  }
0x3e: {  	_ =	shalt  }
0x3f: {  	_ =	shalt  }
0x40: {  	_ =	shalt  }
0x41: {  	_ =	shalt  }
0x42: {  	_ =	shalt  }
0x43: {  	_ =	shalt  }
0x44: {  	_ =	shalt  }
0x45: {  	_ =	shalt  }
0x46: {  	_ =	shalt  }
0x47: {  	_ =	shalt  }
0x48: {  	_ =	shalt  }
0x49: {  	_ =	shalt  }
0x4a: {  	_ =	shalt  }
0x4b: {  	_ =	shalt  }
0x4c: {  	_ =	shalt  }
0x4d: {  	_ =	shalt  }
0x4e: {  	_ =	shalt  }
0x4f: {  	_ =	shalt  }
0x50: {  	_ =	shalt  }
0x51: {  	_ =	shalt  }
0x52: {  	_ =	shalt  }
0x53: {  	_ =	shalt  }
0x54: {  	_ =	shalt  }
0x55: {  	_ =	shalt  }
0x56: {  	_ =	shalt  }
0x57: {  	_ =	shalt  }
0x58: {  	_ =	shalt  }
0x59: {  	_ =	shalt  }
0x5a: {  	_ =	shalt  }
0x5b: {  	_ =	shalt  }
0x5c: {  	_ =	shalt  }
0x5d: {  	_ =	shalt  }
0x5e: {  	_ =	shalt  }
0x5f: {  	_ =	shalt  }
0x60: {  	_ =	shalt  }
0x61: {  	_ =	shalt  }
0x62: {  	_ =	shalt  }
0x63: {  	_ =	shalt  }
0x64: {  	_ =	shalt  }
0x65: {  	_ =	shalt  }
0x66: {  	_ =	shalt  }
0x67: {  	_ =	shalt  }
0x68: {  	_ =	shalt  }
0x69: {  	_ =	shalt  }
0x6a: {  	_ =	shalt  }
0x6b: {  	_ =	shalt  }
0x6c: {  	_ =	shalt  }
0x6d: {  	_ =	shalt  }
0x6e: {  	_ =	shalt  }
0x6f: {  	_ =	shalt  }
0x70: {  	_ =	shalt  }
0x71: {  	_ =	shalt  }
0x72: {  	_ =	shalt  }
0x73: {  	_ =	shalt  }
0x74: {  	_ =	shalt  }
0x75: {  	_ =	shalt  }
0x76: {  	_ =	shalt  }
0x77: {  	_ =	shalt  }
0x78: {  	_ =	shalt  }
0x79: {  	_ =	shalt  }
0x7a: {  	_ =	shalt  }
0x7b: {  	_ =	shalt  }
0x7c: {  	_ =	shalt  }
0x7d: {  	_ =	shalt  }
0x7e: {  	_ =	shalt  }
0x7f: {  	_ =	shalt  }
0x80: {  	_ =	shalt  }
0x81: {  	_ =	shalt  }
0x82: {  	_ =	shalt  }
0x83: {  	_ =	shalt  }
0x84: {  	_ =	shalt  }
0x85: {  	_ =	shalt  }
0x86: {  	_ =	shalt  }
0x87: {  	_ =	shalt  }
.Lfunc_end0:
.L_simem_size_0:
called_computation_lowered:
.L_overlay_start_0:
0x88: {  	s2 =	sld [smem:$0x3FD9]  }
0x89: {  	s3 =	sld [smem:$0x3FFE];
	_ =	sdelay $0x1  }
0x8a: {  	s1 =	srdreg.scid  }
0x8b: {  	s0 =	sand.u32 $0x1, s1  }
0x8c: {  	s17 =	sshll.u32 s0, $0xA;
	s2 =	sadd.s32 s3, s2  }
0x8d: {  	s2 =	sadd.s32 s2, s17  }
0x8e: {  	[smem:$0x3FC4] =	sst s2  }
0x8f: {  	_ = 	snop  }
0x90: {  	s2 =	sld [smem:$0x3FC7]  }
0x91: {  	s18 =	sld [smem:$0x3FD0];
	(tm) =	ssettm $0x1  }
0x92: {  	s4 =	sld [smem:$0x3FFB];
	_ =	sdelay $0x3  }
0x93: {  	_ =	strace s4  }
0x94: {  	s4 =	sld [smem:$0x3FFC];
	_ =	sdelay $0x3  }
0x95: {  	_ =	strace s4  }
0x96: {  	s4 =	sld [smem:$0x3FFD];
	_ =	sdelay $0x3  }
0x97: {  	_ =	strace s4  }
0x98: {  	_ =	strace $0x8FFFFFFF  }
0x99: {  	s19 =	sld [smem:$0x3FDB];
	_ =	sdelay $0x1  }
0x9a: {  	s5 =	simm.s32 $_scs_section_size  }
0x9b: {  	s6 =	simm.s32 $_size__tile_overlayer_lowered;
	s7 =	simm.s32 $_tile_overlayer_lowered  }
0x9c: {  	s22 =	simm.s32 $0x1BFF;
	s21 =	sshll.u32 s7, $0x1;
	s4 =	sadd.s32 s5, s19  }
0x9d: {  	s8 =	simm.s32 $0x0;
	s20 =	sshll.u32 s6, $0x1;
	s6 =	sadd.s32 s21, s4  }
0x9e: {  	[timem:s8], [sflag:s22] =	dma.local [hbm:s6], s20  }
0x9f: {  	_ =	swait.ge [sflag:s22], s20  }
0xa0: {  	s5 =	ssub.s32 $0x0, s20;
	[sflag:s22] =	ssyncset.done $0x0  }
0xa1: {  	[sflag:s22] =	ssyncadd.s32 s5;
	_ =	sdelay $0x1  }
0xa2: {  	s23 =	simm.s32 $0x1B8B  }
0xa3: {  	_ =	swait.ge [sflag:s23], $0x1  }
0xa4: {  	[sflag:s23] =	ssyncset.done $0x0  }
0xa5: {  	s25 =	simm.s32 $0x1B8E;
	s24 =	sld [smem:$0x3FFE];
	[sflag:s23] =	ssyncadd.s32 $0xFFFFFFFF  }
0xa6: {  	s26 =	simm.s32 $execute0_lowered;
	[smem:$0x3FD2] =	sst s25  }
0xa7: {  	s6 =	sshll.u32 s26, $0x1;
	_ =	strace $0x80000046;
	[dreg:$0x1] =	wrdreg $0xFFFFFFFF  }
0xa8: {  	s28 =	simm.s32 $_size_execute0_lowered;
	s4 =	sadd.s32 s4, s6;
	[dreg:$0x0] =	wrdreg $0x0  }
0xa9: {  	s6 =	sshll.u32 s28, $0x1;
	[dreg:$0x2] =	wrdreg s4  }
0xaa: {  	[dreg:$0x3] =	wrdreg s6  }
0xab: {  	[dreg:$0x4] =	wrdreg $0xC0  }
0xac: {  	_ =	task [dreg:s8], $0x5FFFF  }
0xad: {  	[dreg:$0x1] =	wrdreg $0xFFFFFFFF  }
0xae: {  	[dreg:$0x0] =	wrdreg $0x60  }
0xaf: {  	[dreg:$0x2] =	wrdreg s24  }
0xb0: {  	[dreg:$0x3] =	wrdreg s2  }
0xb1: {  	[dreg:$0x4] =	wrdreg s18  }
0xb2: {  	[dreg:$0x5] =	wrdreg $0x9  }
0xb3: {  	_ =	task.clear_ibuf [dreg:s8], $0x6FFFF;
	_ =	strace $0x90000046  }
0xb4: {  	s29 =	simm.s32 $0x9;
	_ =	strace $0x80000048  }
0xb5: {  	_ =	swait.ge [sflag:s29], $0x1  }
0xb6: {  	[sflag:s29] =	ssyncadd.s32 $0xFFFFFFFF  }
0xb7: {  	_ =	strace $0x90000048  }
0xb8: {  	_ =	sfence  }
0xb9: {  	s30 =	sld [smem:$0x0];
	_ =	sdelay $0x2  }
0xba: {  	s31 =	sshll.u32 s1, $0xD;
	s1 =	sshrl.u32 s1, $0x2  }
0xbb: {  	s3 =	sand.u32 $0x4000, s31;
	s1 =	sadd.s32 s1, s30  }
0xbc: {  	s0 =	sor.u32 s3, s0;
	s1 =	sshll.u32 s1, $0x11  }
0xbd: {  	s0 =	sor.u32 s1, s0  }
0xbe: {  	s0 =	sadd.s32 $0x8F2B, s0  }
0xbf: {  	[sflag:s0] =	ssyncadd.remote.s32 $0x1  }
0xc0: {  	_ =	sfence.sel $0xFFFF  }
0xc1: {  	[dreg:$0x0] =	wrdreg $0xFFFFFFFF;
	(pc) =	sbr.abs _section_cstart, $3  }
0xc2: {  	[dreg:$0x1] =	wrdreg $0xFFFFFFFF  }
0xc3: {  	_ =	task.clear_ibuf [dreg:s8], $0x2FFFF;
	_ =	strace $0x9FFFFFFF  }
0xc4: {  	(tm) =	ssettm $0x7FFFFFFF  }
0xc5: {  	_ =	shalt  }
tec
execute0_lowered:
.L_overlay_start_1:
0x0: {  	(tag) =	ssettag $0x1  }
0x1: {  	s1 =	rddreg [dreg:$0x0]  }
0x2: {  	s3 =	rddreg [dreg:$0x1]  }
0x3: {  	s0 =	rddreg [dreg:$0x2];
	s5 =	srdreg.scid  }
0x4: {  	s2 =	stileid.u32;
	s4 =	simm.s32 $0x0;
	s16 =	simm.s32 $0x1  }
0x5: {  	s17 =	simm.s32 $0x2780;
	s18 =	simm.s32 $0x4F00;
	s19 =	simm.s32 $0x7680  }
0x6: {  	s20 =	simm.s32 $0x9E00;
	s21 =	simm.s32 $0x9E80;
	s22 =	simm.s32 $0xB280  }
0x7: {  	s23 =	simm.s32 $0xC680;
	s24 =	simm.s32 $0xDA80;
	s25 =	simm.s32 $0xEE80  }
0x8: {  	s26 =	simm.s32 $0x10280;
	s28 =	simm.s32 $0x11680;
	s29 =	simm.s32 $0x0  }
0x9: {  	s5 =	sand.u32 $0x1, s5;
	s6 =	sshll.u32 s2, $0x1;
	[smem:$0x7FF] =	sst s4  }
0xa: {  	s7 =	sadd.s32 $0x200, s1;
	s6 =	sor.u32 s5, s6;
	s9 =	ssub.s32 $0x2, s5  }
0xb: {  	_ =	strace $0x80000047;
	s8 =	smul.u32 $0x280, s6;
	s10 =	sshrl.u32 s9, $0x1  }
0xc: {  	s5 =	sadd.s32 $0xE00, s1;
	s6 =	sadd.s32 $0x800, s1;
	s15 =	ssub.s32 s9, s10  }
0xd: {  	s14 =	sadd.s32 s8, s1;
	s8 =	sadd.s32 s0, s8;
	s15 =	smax.u32 s15, $0x1  }
0xe: {  	s9 =	sadd.s32 $0x1400, s14;
	s10 =	sadd.s32 $0x6400, s14;
	s11 =	sadd.s32 $0xB400, s14  }
0xf: {  	s12 =	sadd.s32 $0x10400, s14;
	s13 =	sadd.s32 $0x15400, s14;
	s14 =	sadd.s32 $0x1A400, s14  }
.LBB2_1:
0x10: {  	[tilespmem:s4], [sflag:$0x1] =	stream.linear.gather [hbm4b:s5+s4], $0x2780, $0x38;
	[tilespmem:$0x12A80] =	vst v63  }
0x11: {  	_ =	swait.ge [sflag:s16], $0x2780  }
0x12: {  	[sflag:s16] =	ssyncset.done $0x0  }
0x13: {  	[sflag:s16] =	ssyncadd.s32 $0xFFFFD880  }
0x14: {  	[tilespmem:s17], [sflag:$0x1] =	stream.linear.gather [hbm4b:s6+s4], $0x2780, $0x38;
	[tilespmem:$0x12A80] =	vst v63  }
0x15: {  	_ =	swait.ge [sflag:s16], $0x2780  }
0x16: {  	[sflag:s16] =	ssyncset.done $0x0  }
0x17: {  	[sflag:s16] =	ssyncadd.s32 $0xFFFFD880  }
0x18: {  	[tilespmem:s18], [sflag:$0x1] =	stream.linear.gather [hbm4b:s7+s4], $0x2780, $0x38;
	[tilespmem:$0x12A80] =	vst v63  }
0x19: {  	_ =	swait.ge [sflag:s16], $0x2780  }
0x1a: {  	[sflag:s16] =	ssyncset.done $0x0  }
0x1b: {  	[sflag:s16] =	ssyncadd.s32 $0xFFFFD880  }
0x1c: {  	[tilespmem:s19], [sflag:$0x1] =	stream.linear.gather [hbm4b:s3+s4], $0x2780, $0x38;
	[tilespmem:$0x12A80] =	vst v63  }
0x1d: {  	_ =	swait.ge [sflag:s16], $0x2780  }
0x1e: {  	[sflag:s16] =	ssyncset.done $0x0  }
0x1f: {  	[sflag:s16] =	ssyncadd.s32 $0xFFFFD880  }
0x20: {  	[tilespmem:s20], [sflag:$0x1] =	stream.linear.gather [hbm4b:s1+s4], $0x80, $0x38;
	[tilespmem:$0x12A80] =	vst v63  }
0x21: {  	_ =	swait.ge [sflag:s16], $0x80  }
0x22: {  	[sflag:s16] =	ssyncset.done $0x0  }
0x23: {  	[sflag:s16] =	ssyncadd.s32 $0xFFFFFF80  }
0x24: {  	[tilespmem:s21], [sflag:$0x1] =	stream.linear.gather [hbm4b:s8+s4], $0x1400, $0x38;
	[tilespmem:$0x12A80] =	vst v63  }
0x25: {  	_ =	swait.ge [sflag:s16], $0x1400  }
0x26: {  	[sflag:s16] =	ssyncset.done $0x0  }
0x27: {  	[sflag:s16] =	ssyncadd.s32 $0xFFFFEC00  }
0x28: {  	[tilespmem:s22], [sflag:$0x1] =	stream.linear.gather [hbm4b:s9+s4], $0x1400, $0x38;
	[tilespmem:$0x12A80] =	vst v63  }
0x29: {  	_ =	swait.ge [sflag:s16], $0x1400  }
0x2a: {  	[sflag:s16] =	ssyncset.done $0x0  }
0x2b: {  	s30 =	simm.s32 $0x0;
	[sflag:s16] =	ssyncadd.s32 $0xFFFFEC00  }
0x2c: {  	v0 =	vld [tilespmem:s30+$0x9E80]  }
0x2d: {  	v1 =	vld [tilespmem:s30+$0xB280];
	_ =	sdelay $0x6  }
0x2e: {  	v2 =	vld.idx.msk [tilespmem:v0+s19+$0x0], $0xffff  }
0x2f: {  	v3 =	vld.idx.msk [tilespmem:v1+s19+$0x0], $0xffff  }
0x30: {  	v4 =	vld.idx.msk [tilespmem:v0+s17+$0x0], $0xffff  }
0x31: {  	v5 =	vld.idx.msk [tilespmem:v1+s17+$0x0], $0xffff  }
0x32: {  	v6 =	vld.idx.msk [tilespmem:v0+s4+$0x0], $0xffff  }
0x33: {  	v7 =	vld.idx.msk [tilespmem:v1+s4+$0x0], $0xffff  }
0x34: {  	v1 =	vld.idx.msk [tilespmem:v1+s18+$0x0], $0xffff  }
0x35: {  	v8 =	vld.idx.msk [tilespmem:v0+s18+$0x0], $0xffff  }
0x36: {  	vm0 =	vgt.s32 v2, v3  }
0x37: {  	v0 =	vsel vm0, v3, v2  }
0x38: {  	v2 =	vsel vm0, v2, v3;
	v0 =	vshll.u32 v0, $0x3  }
0x39: {  	v3 =	vsub.f32 v5, v4;
	v4 =	vadd.s32 v2, v0;
	v2 =	vsub.f32 v7, v6  }
0x3a: {  	v5 =	vsub.f32 v1, v8  }
0x3b: {  	s31 =	simm.s32 $0x10;
	v3 =	vadd.f32 $9.999999970e-07, v3;
	v2 =	vadd.f32 $9.999999970e-07, v2  }
0x3c: {  	v1 =	vld [tilespmem:s31+$0xB280]  }
0x3d: {  	v0 =	vld [tilespmem:s31+$0x9E80];
	v5 =	vadd.f32 $9.999999970e-07, v5;
	v7 =	vmul.f32 v3, v3;
	v6 =	vmul.f32 v2, v2  }
0x3e: {  	s0 =	simm.s32 $0x80;
	v4 =	vld.idx.msk [tilespmem:v4+s20+$0x0], $0xffff  }
.LBB2_2:
0x3f: {  	p0 =	sne.s32 s0, $0x4FC0;
	v6 =	vadd.f32 v7, v6;
	v7 =	vmul.f32 v5, v5;
	[tilespmem:s30+$0xEE80] =	vst v5;
	s2 =	smov.u32 s0;
	s0 =	sadd.s32 $0x40, s0  }
0x40: {  	[tilespmem:s30+$0xDA80] =	vst v3  }
0x41: {  	v3 =	vadd.f32 v7, v6;
	[tilespmem:s30+$0xC680] =	vst v2;
	_ =	sdelay $0x1  }
0x42: {  	[tilespmem:s30+$0x10280] =	vst v3  }
0x43: {  	[tilespmem:s30+$0x11680] =	vst v4;
	s30 =	smov.u32 s31  }
0x44: {  	v2 =	vld.idx.msk [tilespmem:v0+s17+$0x0], $0xffff  }
0x45: {  	v3 =	vld.idx.msk [tilespmem:v0+s19+$0x0], $0xffff  }
0x46: {  	v4 =	vld.idx.msk [tilespmem:v1+s19+$0x0], $0xffff  }
0x47: {  	v5 =	vld.idx.msk [tilespmem:v1+s17+$0x0], $0xffff  }
0x48: {  	v6 =	vld.idx.msk [tilespmem:v0+s4+$0x0], $0xffff  }
0x49: {  	v7 =	vld.idx.msk [tilespmem:v1+s4+$0x0], $0xffff  }
0x4a: {  	v1 =	vld.idx.msk [tilespmem:v1+s18+$0x0], $0xffff  }
0x4b: {  	v8 =	vld.idx.msk [tilespmem:v0+s18+$0x0], $0xffff  }
0x4c: {  	vm0 =	vgt.s32 v3, v4  }
0x4d: {  	v2 =	vsub.f32 v5, v2;
	v0 =	vsel vm0, v4, v3;
	v3 =	vsel vm0, v3, v4  }
0x4e: {  	v0 =	vshll.u32 v0, $0x3  }
0x4f: {  	s31 =	sshra.s32 s2, $0x2;
	v4 =	vsub.f32 v7, v6;
	v9 =	vadd.s32 v3, v0  }
.Ltmp0:
0x50: {  	v3 =	vadd.f32 $9.999999970e-07, v2;
	v0 =	vld [tilespmem:s31+$0x9E80];
	(pc) =	sbr.rel @p0 .LBB2_2-.Ltmp0, $3  }
0x51: {  	v2 =	vadd.f32 $9.999999970e-07, v4;
	v4 =	vsub.f32 v1, v8;
	_ =	sdelay $0x1  }
0x52: {  	v7 =	vmul.f32 v3, v3;
	v5 =	vadd.f32 $9.999999970e-07, v4;
	v6 =	vmul.f32 v2, v2;
	v1 =	vld [tilespmem:s31+$0xB280]  }
0x53: {  	v4 =	vld.idx.msk [tilespmem:v9+s20+$0x0], $0xffff  }
0x54: {  	v6 =	vadd.f32 v7, v6;
	v50 =	vmul.f32 v5, v5  }
0x55: {  	[tilespmem:s30+$0xEE80] =	vst v5  }
0x56: {  	[tilespmem:s30+$0xDA80] =	vst v3;
	v51 =	vadd.f32 v50, v6  }
0x57: {  	[tilespmem:s30+$0xC680] =	vst v2  }
0x58: {  	[tilespmem:s30+$0x10280] =	vst v51  }
0x59: {  	[tilespmem:s30+$0x11680] =	vst v4  }
0x5a: {  	v2 =	vld.idx.msk [tilespmem:v0+s17+$0x0], $0xffff  }
0x5b: {  	v3 =	vld.idx.msk [tilespmem:v0+s19+$0x0], $0xffff  }
0x5c: {  	v4 =	vld.idx.msk [tilespmem:v1+s19+$0x0], $0xffff  }
0x5d: {  	v5 =	vld.idx.msk [tilespmem:v1+s17+$0x0], $0xffff  }
0x5e: {  	v52 =	vld.idx.msk [tilespmem:v0+s4+$0x0], $0xffff  }
0x5f: {  	v53 =	vld.idx.msk [tilespmem:v1+s4+$0x0], $0xffff  }
0x60: {  	v54 =	vld.idx.msk [tilespmem:v1+s18+$0x0], $0xffff  }
0x61: {  	v55 =	vld.idx.msk [tilespmem:v0+s18+$0x0], $0xffff;
	_ =	sdelay $0x1  }
0x62: {  	vm0 =	vgt.s32 v3, v4  }
0x63: {  	v2 =	vsub.f32 v5, v2;
	v56 =	vsel vm0, v4, v3  }
0x64: {  	v58 =	vsub.f32 v53, v52;
	v3 =	vsel vm0, v3, v4;
	v57 =	vshll.u32 v56, $0x3  }
0x65: {  	v0 =	vsub.f32 v54, v55;
	v3 =	vadd.s32 v3, v57  }
0x66: {  	v2 =	vadd.f32 $9.999999970e-07, v2;
	v59 =	vadd.f32 $9.999999970e-07, v58;
	_ =	sdelay $0x1  }
0x67: {  	v0 =	vadd.f32 $9.999999970e-07, v0;
	v60 =	vmul.f32 v59, v59;
	v61 =	vmul.f32 v2, v2;
	_ =	sdelay $0x1  }
0x68: {  	v62 =	vmul.f32 v0, v0;
	v1 =	vadd.f32 v61, v60;
	v3 =	vld.idx.msk [tilespmem:v3+s20+$0x0], $0xffff  }
0x69: {  	[tilespmem:s31+$0xEE80] =	vst v0  }
0x6a: {  	[tilespmem:s31+$0xDA80] =	vst v2;
	v63 =	vadd.f32 v62, v1  }
0x6b: {  	[tilespmem:s31+$0xC680] =	vst v59  }
0x6c: {  	[tilespmem:s31+$0x10280] =	vst v63  }
0x6d: {  	[tilespmem:s31+$0x11680] =	vst v3  }
0x6e: {  	[hbm4b:s10+s4] =	stream.linear.scatter [tilespmem:s23], [sflag:$0x1], $0x1400, $0x38;
	[tilespmem:$0x12A80] =	vst v63  }
0x6f: {  	_ =	swait.ge [sflag:s16], $0x1400  }
0x70: {  	[sflag:s16] =	ssyncset.done $0x0  }
0x71: {  	[sflag:s16] =	ssyncadd.s32 $0xFFFFEC00  }
0x72: {  	[hbm4b:s11+s4] =	stream.linear.scatter [tilespmem:s24], [sflag:$0x1], $0x1400, $0x38;
	[tilespmem:$0x12A80] =	vst v63  }
0x73: {  	_ =	swait.ge [sflag:s16], $0x1400  }
0x74: {  	[sflag:s16] =	ssyncset.done $0x0  }
0x75: {  	[sflag:s16] =	ssyncadd.s32 $0xFFFFEC00  }
0x76: {  	[hbm4b:s12+s4] =	stream.linear.scatter [tilespmem:s25], [sflag:$0x1], $0x1400, $0x38;
	[tilespmem:$0x12A80] =	vst v63  }
0x77: {  	_ =	swait.ge [sflag:s16], $0x1400  }
0x78: {  	[sflag:s16] =	ssyncset.done $0x0  }
0x79: {  	[sflag:s16] =	ssyncadd.s32 $0xFFFFEC00  }
0x7a: {  	[hbm4b:s13+s4] =	stream.linear.scatter [tilespmem:s26], [sflag:$0x1], $0x1400, $0x38;
	[tilespmem:$0x12A80] =	vst v63  }
0x7b: {  	s29 =	sadd.s32 $0x1, s29;
	_ =	swait.ge [sflag:s16], $0x1400  }
0x7c: {  	p0 =	sne.s32 s29, s15;
	[sflag:s16] =	ssyncset.done $0x0  }
.Ltmp1:
0x7d: {  	[sflag:s16] =	ssyncadd.s32 $0xFFFFEC00;
	(pc) =	sbr.rel @p0 .LBB2_1-.Ltmp1, $4  }
0x7e: {  	[hbm4b:s14+s4] =	stream.linear.scatter [tilespmem:s28], [sflag:$0x1], $0x1400, $0x38;
	[tilespmem:$0x12A80] =	vst v63  }
0x7f: {  	_ =	swait.ge [sflag:s16], $0x1400  }
0x80: {  	[sflag:s16] =	ssyncset.done $0x0  }
0x81: {  	[sflag:s16] =	ssyncadd.s32 $0xFFFFEC00  }
0x82: {  	_ =	sfence.sel $0x180000  }
0x83: {  	[bflag:$0x0] =	sbarrier.arrive $0xFFFF  }
0x84: {  	_ =	strace $0x90000047  }
0x85: {  	s0 =	stileid.u32;
	[bflag:$0x2] =	sbarrier.arrive $0xFFFF  }
0x86: {  	p0 =	sne.s32 s0, $0x0;
	s0 =	rddreg [dreg:$0x3]  }
0x87: {  	s0 =	sadd.s32 @!p0 $0x100000, s0  }
0x88: {  	[sflag:s0] =	ssyncadd.tile.s32 @!p0 $0x1;
	_ =	shalt  }
.Lfunc_end2:
_tile_overlayer_lowered:
.L_overlay_start_2:
0x89: {  	(tag) =	ssettag $0x2  }
0x8a: {  	s0 =	rddreg [dreg:$0x0];
	s2 =	stileid.u32  }
0x8b: {  	s1 =	rddreg [dreg:$0x1];
	p0 =	sne.s32 s2, $0x0  }
0x8c: {  	s3 =	rddreg [dreg:$0x2];
	[bflag:$0x3] =	sbarrier.arrive $0xFFFF;
	s2 =	simm.s32 @!p0 $0x1C01  }
0x8d: {  	[timem:s3], [sflag:s2] =	dma.local @!p0 [hbm:s0], s1  }
0x8e: {  	s0 =	simm.s32 @!p0 $0x1  }
0x8f: {  	_ =	swait.ge @!p0 [sflag:s0], s1  }
0x90: {  	s1 =	ssub.s32 @!p0 $0x0, s1;
	[sflag:s0] =	ssyncset.done @!p0 $0x0  }
0x91: {  	[sflag:s0] =	ssyncadd.s32 @!p0 s1  }
0x92: {  	[bflag:$0x3] =	sbarrier.arrive $0xFFFF  }
0x93: {  	_ =	shalt  }

</sc_bundles>
